<compile_context>
chip_gen: v7x
topology: tpu7x:2x2x1
jax: 0.10.2.dev20260603
libtpu: 0.0.44.dev20260713+nightly
codegen_flags: <defaults>
</compile_context>

<pallas_src>
import functools

import jax
import jax.numpy as jnp
from jax import lax
from jax.experimental import pallas as pl
from jax.experimental.pallas import tpu as pltpu
from jax.experimental.pallas import tpu_sc as plsc

B, T, D = 16, 1024, 32
DP = 128
K = 8192
KT = 2048
KSTEPS = K // KT
CHUNK = 4096
TILES_PER_CHUNK = CHUNK // KT
IDX_CHUNK = 128


def _argmin_body(zn_ref, en_ref, a_ref, c_ref, out_ref, dw_ref, cm_ref, ci_ref, mn_ref, ix_ref):
    k = pl.program_id(1)
    znb = zn_ref[0]
    enb = en_ref[...]
    s2 = lax.dot_general(
        enb, znb, (((1,), (1,)), ((), ())),
        preferred_element_type=jnp.float32,
    )
    dist = (a_ref[0] + c_ref[...]) - s2
    dw_ref[pl.ds((k % TILES_PER_CHUNK) * KT, KT), :] = dist
    m = jnp.min(dist, axis=0, keepdims=True)

    @pl.when(k % TILES_PER_CHUNK == 0)
    def _():
        cm_ref[...] = m

    @pl.when(k % TILES_PER_CHUNK != 0)
    def _():
        cm_ref[...] = jnp.minimum(m, cm_ref[...])

    @pl.when(k % TILES_PER_CHUNK == TILES_PER_CHUNK - 1)
    def _():
        cm = cm_ref[...]
        dw = dw_ref[...]
        ids = lax.broadcasted_iota(jnp.int32, dw.shape, 0)
        ci = jnp.min(
            jnp.where(dw == cm, ids, jnp.int32(2**31 - 1)), axis=0, keepdims=True
        ) + (k // TILES_PER_CHUNK) * CHUNK
        cmb = cm.astype(jnp.bfloat16).astype(jnp.float32)

        @pl.when(k == TILES_PER_CHUNK - 1)
        def _():
            mn_ref[...] = cmb
            ix_ref[...] = ci

        @pl.when(k > TILES_PER_CHUNK - 1)
        def _():
            win = mn_ref[...] > cm
            mn_ref[...] = jnp.where(win, cmb, mn_ref[...])
            ix_ref[...] = jnp.where(win, ci, ix_ref[...])

    @pl.when(k == KSTEPS - 1)
    def _():
        out_ref[0] = ix_ref[...]


def _argmin_call(zn3, en, a3, c2):
    return pl.pallas_call(
        _argmin_body,
        grid=(B, KSTEPS),
        in_specs=[
            pl.BlockSpec((1, T, D), lambda b, k: (b, 0, 0)),
            pl.BlockSpec((KT, D), lambda b, k: (k, 0)),
            pl.BlockSpec((1, 1, T), lambda b, k: (b, 0, 0)),
            pl.BlockSpec((KT, 1), lambda b, k: (k, 0)),
        ],
        out_specs=pl.BlockSpec((1, 1, T), lambda b, k: (b, 0, 0)),
        out_shape=jax.ShapeDtypeStruct((B, 1, T), jnp.int32),
        scratch_shapes=[
            pltpu.VMEM((CHUNK, T), jnp.float32),
            pltpu.VMEM((1, T), jnp.float32),
            pltpu.VMEM((1, T), jnp.int32),
            pltpu.VMEM((1, T), jnp.float32),
            pltpu.VMEM((1, T), jnp.int32),
        ],
        compiler_params=pltpu.CompilerParams(
            dimension_semantics=("arbitrary", "arbitrary"),
        ),
    )(zn3, en, a3, c2)


def _finalize_body(zq_ref, zn_ref, out_ref, loss_ref, acc_ref):
    b = pl.program_id(0)
    zq = zq_ref[0][:, :D]
    znb = zn_ref[0]
    n = jnp.sqrt(jnp.sum(zq * zq, axis=0, keepdims=True))
    zqn = zq / jnp.maximum(n, 1e-12)
    out_ref[0] = znb + (zqn - znb)
    part = jnp.sum((zqn - znb) ** 2)

    @pl.when(b == 0)
    def _():
        acc_ref[0, 0] = part

    @pl.when(b > 0)
    def _():
        acc_ref[0, 0] = acc_ref[0, 0] + part

    @pl.when(b == B - 1)
    def _():
        m = acc_ref[0, 0] / (B * T * D)
        loss_ref[...] = jnp.full((1, 1), m + 0.25 * m, jnp.float32)


def _finalize_call(zq3, zn3):
    return pl.pallas_call(
        _finalize_body,
        grid=(B,),
        in_specs=[
            pl.BlockSpec((1, T, DP), lambda b: (b, 0, 0)),
            pl.BlockSpec((1, T, D), lambda b: (b, 0, 0)),
        ],
        out_specs=[
            pl.BlockSpec((1, T, D), lambda b: (b, 0, 0)),
            pl.BlockSpec((1, 1), lambda b: (0, 0)),
        ],
        out_shape=[
            jax.ShapeDtypeStruct((B, T, D), jnp.float32),
            jax.ShapeDtypeStruct((1, 1), jnp.float32),
        ],
        scratch_shapes=[pltpu.SMEM((1, 1), jnp.float32)],
        compiler_params=pltpu.CompilerParams(
            dimension_semantics=("arbitrary",),
        ),
    )(zq3, zn3)


def _sc_gather(Wp, idx):
    info = plsc.get_sparse_core_info()
    nc, ns = info.num_cores, info.num_subcores
    nw = nc * ns
    n = idx.shape[0]
    b_per_w = n // nw
    chunks = b_per_w // IDX_CHUNK
    mesh = plsc.VectorSubcoreMesh(core_axis_name="c", subcore_axis_name="s")

    @functools.partial(
        pl.kernel,
        mesh=mesh,
        out_type=jax.ShapeDtypeStruct((n, DP), jnp.float32),
        scratch_types=[
            pltpu.VMEM((IDX_CHUNK,), jnp.int32),
            pltpu.VMEM((IDX_CHUNK, DP), jnp.float32),
            pltpu.SemaphoreType.DMA,
        ],
    )
    def gather_kernel(table_hbm, idx_hbm, out_hbm, idx_v, rows_v, sem):
        wid = lax.axis_index("s") * nc + lax.axis_index("c")
        base = wid * b_per_w
        for j in range(chunks):
            off = base + j * IDX_CHUNK
            pltpu.sync_copy(idx_hbm.at[pl.ds(off, IDX_CHUNK)], idx_v)
            pltpu.async_copy(table_hbm.at[idx_v], rows_v, sem).wait()
            pltpu.sync_copy(rows_v, out_hbm.at[pl.ds(off, IDX_CHUNK)])

    return gather_kernel(Wp, idx)


def kernel(z, W):
    nz = jnp.linalg.norm(z, ord=2, axis=1, keepdims=True)
    zn3 = z / jnp.maximum(nz, 1e-12)
    nw_ = jnp.linalg.norm(W, ord=2, axis=1, keepdims=True)
    en = W / jnp.maximum(nw_, 1e-12)
    z_flat = zn3.reshape(B * T, D)
    a = jnp.sum(z_flat ** 2, axis=1, keepdims=True)
    a3 = a.reshape(B, T)[:, None, :]
    c2 = jnp.sum(W ** 2, axis=1).reshape(K, 1)
    znb3 = (zn3 * 2.0).astype(jnp.bfloat16)
    enb = en.astype(jnp.bfloat16)

    idx3 = _argmin_call(znb3, enb, a3, c2)
    idx = idx3.reshape(B * T)

    Wp = jnp.pad(W, ((0, 0), (0, DP - D)))
    rows = _sc_gather(Wp, idx)
    zq3 = rows.reshape(B, T, DP)

    zq_out, loss11 = _finalize_call(zq3, zn3)
    return zq_out, idx, loss11[0, 0]

# --- scband reference (transcript-rebuilt; emitter-appended) ---
"""Pipeline reference for scband-codebook-33973191311621 (READ-ONLY COPY).

The authoritative reference and input builder live on the scoring server;
editing this copy changes nothing except your own understanding.
"""

import jax, jax.numpy as jnp
import numpy as np


def _l2norm(x, axis):
    # matches torch F.normalize(p=2, dim=axis) with eps=1e-12 clamp
    n = jnp.linalg.norm(x, ord=2, axis=axis, keepdims=True)
    return x / jnp.maximum(n, 1e-12)


def setup_inputs(seed: int = 0) -> dict:
    key = jax.random.key(seed)
    k1, k2 = jax.random.split(key)
    z = jax.random.normal(k1, (16, 1024, 32), dtype=jnp.float32)
    # embedding.weight.data.uniform_(-1/K, 1/K)
    W = jax.random.uniform(k2, (8192, 32), minval=-1.0 / 8192.0, maxval=1.0 / 8192.0, dtype=jnp.float32)
    return {"z": z, "W": W}


def reference(z, W):
    beta = 0.25
    # NOTE: original torch code applies l2_norm with dim=1, which for the 3D
    # tensor z of shape (b, t, d) normalizes over the TOKEN axis (axis=1).
    z = _l2norm(z, axis=1)
    b, t, d = z.shape
    z_flat = z.reshape(b * t, d)
    embed_norm = _l2norm(W, axis=1)  # (K, d), normalized over feature dim
    dist = (
        jnp.sum(z_flat ** 2, axis=1, keepdims=True)
        + jnp.sum(W ** 2, axis=1)
        - 2.0 * (z_flat @ embed_norm.T)
    )
    min_encoding_indices = jnp.argmin(dist, axis=1)
    z_q = jnp.take(W, min_encoding_indices, axis=0).reshape(b, t, d)
    z_q = _l2norm(z_q, axis=1)  # again dim=1 on (b, t, d)
    sg = jax.lax.stop_gradient
    loss = jnp.mean((sg(z_q) - z) ** 2) + beta * jnp.mean((z_q - sg(z)) ** 2)
    z_q_out = z + sg(z_q - z)
    return z_q_out, min_encoding_indices, loss

if __name__ == "__main__":
    import jax
    _d = setup_inputs()
    print(jax.jit(kernel)(*tuple(_d.values())))

</pallas_src>

<mosaic_0001>
#map = affine_map<(d0, d1) -> (0, 0)>
#map1 = affine_map<(d0, d1) -> (0)>
module attributes {stable_mosaic.version = 14 : i64} {
  func.func @gather_kernel(%arg0: i32, %arg1: i32, %arg2: memref<8192x128xf32, #tpu.memory_space<hbm>>, %arg3: memref<16384xi32, #tpu.memory_space<hbm>>, %arg4: memref<16384x128xf32, #tpu.memory_space<hbm>>, %arg5: memref<128xi32, #tpu.memory_space<vmem>>, %arg6: memref<128x128xf32, #tpu.memory_space<vmem>>, %arg7: memref<!tpu.dma_semaphore, #tpu.memory_space<semaphore_mem>>) attributes {dimension_semantics = [#tpu.dimension_semantics<core_parallel>, #tpu.dimension_semantics<subcore_parallel>], iteration_bounds = array<i64: 2, 16>, scalar_prefetch = 0 : i64, scratch_operands = 3 : i64, tpu.core_type = #tpu.core_type<sc_vector_subcore>, window_params = [{transform_indices = #map}, {transform_indices = #map1}, {transform_indices = #map}]} {
    %mul3A = arith.constant 2 : i32
    %mul3A_0 = arith.muli %arg1, %mul3A : i32
    %add3A = arith.addi %mul3A_0, %arg0 : i32
    %mul3A_1 = arith.constant 512 : i32
    %mul3A_2 = arith.muli %add3A, %mul3A_1 : i32
    %add3A_3 = arith.constant 0 : i32
    %add3A_4 = arith.addi %mul3A_2, %add3A_3 : i32
    "tpu.region"() ({
      %run_scoped3A = tpu.sem_alloc : memref<!tpu.dma_semaphore, #tpu.memory_space<semaphore_mem>>
      %dma_start3A_33 = tpu.memref_slice %arg3[%add3A_4] : memref<16384xi32, #tpu.memory_space<hbm>> -> memref<128xi32, #tpu.memory_space<hbm>>
      %dma_start3A_34 = tpu.memref_slice %arg3[%add3A_4] : memref<16384xi32, #tpu.memory_space<hbm>> -> memref<128xi32, #tpu.memory_space<hbm>>
      tpu.enqueue_dma source(%dma_start3A_34 : memref<128xi32, #tpu.memory_space<hbm>>) target(%arg5 : memref<128xi32, #tpu.memory_space<vmem>>) target_semaphore(%run_scoped3A : memref<!tpu.dma_semaphore, #tpu.memory_space<semaphore_mem>>)
      %dma_wait3A_35 = tpu.memref_slice %arg3[%add3A_4] : memref<16384xi32, #tpu.memory_space<hbm>> -> memref<128xi32, #tpu.memory_space<hbm>>
      %dma_wait3A_36 = tpu.memref_slice %arg3[%add3A_4] : memref<16384xi32, #tpu.memory_space<hbm>> -> memref<128xi32, #tpu.memory_space<hbm>>
      tpu.wait_dma2 semaphore(%run_scoped3A : memref<!tpu.dma_semaphore, #tpu.memory_space<semaphore_mem>>) src(%dma_wait3A_36 : memref<128xi32, #tpu.memory_space<hbm>>) dst(%arg5 : memref<128xi32, #tpu.memory_space<vmem>>)
      tpu.yield
    }) : () -> ()
    %dma_start3A = arith.constant 0 : i32
    %dma_start3A_5 = arith.constant 0 : i32
    %dma_start3A_6 = tpu.memref_slice %arg2[%dma_start3A, %dma_start3A_5] : memref<8192x128xf32, #tpu.memory_space<hbm>> -> memref<8192x128xf32, #tpu.memory_space<hbm>>
    tpu.enqueue_indirect_dma source(%dma_start3A_6 : memref<8192x128xf32, #tpu.memory_space<hbm>>) target(%arg6 : memref<128x128xf32, #tpu.memory_space<vmem>>) offsets(%arg5 : memref<128xi32, #tpu.memory_space<vmem>>) semaphore(%arg7 : memref<!tpu.dma_semaphore, #tpu.memory_space<semaphore_mem>>)
    %dma_wait3A = arith.constant 0 : i32
    %dma_wait3A_7 = arith.constant 0 : i32
    %dma_wait3A_8 = tpu.memref_slice %arg2[%dma_wait3A, %dma_wait3A_7] : memref<8192x128xf32, #tpu.memory_space<hbm>> -> memref<8192x128xf32, #tpu.memory_space<hbm>>
    tpu.wait_indirect_dma semaphore(%arg7 : memref<!tpu.dma_semaphore, #tpu.memory_space<semaphore_mem>>) src(%dma_wait3A_8 : memref<8192x128xf32, #tpu.memory_space<hbm>>) dst(%arg6 : memref<128x128xf32, #tpu.memory_space<vmem>>)
    "tpu.region"() ({
      %run_scoped3A = tpu.sem_alloc : memref<!tpu.dma_semaphore, #tpu.memory_space<semaphore_mem>>
      %dma_start3A_33 = arith.constant 0 : i32
      %dma_start3A_34 = tpu.memref_slice %arg4[%add3A_4, %dma_start3A_33] : memref<16384x128xf32, #tpu.memory_space<hbm>> -> memref<128x128xf32, #tpu.memory_space<hbm>>
      %dma_start3A_35 = arith.constant 0 : i32
      %dma_start3A_36 = tpu.memref_slice %arg4[%add3A_4, %dma_start3A_35] : memref<16384x128xf32, #tpu.memory_space<hbm>> -> memref<128x128xf32, #tpu.memory_space<hbm>>
      tpu.enqueue_dma source(%arg6 : memref<128x128xf32, #tpu.memory_space<vmem>>) target(%dma_start3A_36 : memref<128x128xf32, #tpu.memory_space<hbm>>) target_semaphore(%run_scoped3A : memref<!tpu.dma_semaphore, #tpu.memory_space<semaphore_mem>>)
      %dma_wait3A_37 = arith.constant 0 : i32
      %dma_wait3A_38 = tpu.memref_slice %arg4[%add3A_4, %dma_wait3A_37] : memref<16384x128xf32, #tpu.memory_space<hbm>> -> memref<128x128xf32, #tpu.memory_space<hbm>>
      %dma_wait3A_39 = arith.constant 0 : i32
      %dma_wait3A_40 = tpu.memref_slice %arg4[%add3A_4, %dma_wait3A_39] : memref<16384x128xf32, #tpu.memory_space<hbm>> -> memref<128x128xf32, #tpu.memory_space<hbm>>
      tpu.wait_dma2 semaphore(%run_scoped3A : memref<!tpu.dma_semaphore, #tpu.memory_space<semaphore_mem>>) src(%arg6 : memref<128x128xf32, #tpu.memory_space<vmem>>) dst(%dma_wait3A_40 : memref<128x128xf32, #tpu.memory_space<hbm>>)
      tpu.yield
    }) : () -> ()
    %add3A_9 = arith.constant 128 : i32
    %add3A_10 = arith.addi %mul3A_2, %add3A_9 : i32
    "tpu.region"() ({
      %run_scoped3A = tpu.sem_alloc : memref<!tpu.dma_semaphore, #tpu.memory_space<semaphore_mem>>
      %dma_start3A_33 = tpu.memref_slice %arg3[%add3A_10] : memref<16384xi32, #tpu.memory_space<hbm>> -> memref<128xi32, #tpu.memory_space<hbm>>
      %dma_start3A_34 = tpu.memref_slice %arg3[%add3A_10] : memref<16384xi32, #tpu.memory_space<hbm>> -> memref<128xi32, #tpu.memory_space<hbm>>
      tpu.enqueue_dma source(%dma_start3A_34 : memref<128xi32, #tpu.memory_space<hbm>>) target(%arg5 : memref<128xi32, #tpu.memory_space<vmem>>) target_semaphore(%run_scoped3A : memref<!tpu.dma_semaphore, #tpu.memory_space<semaphore_mem>>)
      %dma_wait3A_35 = tpu.memref_slice %arg3[%add3A_10] : memref<16384xi32, #tpu.memory_space<hbm>> -> memref<128xi32, #tpu.memory_space<hbm>>
      %dma_wait3A_36 = tpu.memref_slice %arg3[%add3A_10] : memref<16384xi32, #tpu.memory_space<hbm>> -> memref<128xi32, #tpu.memory_space<hbm>>
      tpu.wait_dma2 semaphore(%run_scoped3A : memref<!tpu.dma_semaphore, #tpu.memory_space<semaphore_mem>>) src(%dma_wait3A_36 : memref<128xi32, #tpu.memory_space<hbm>>) dst(%arg5 : memref<128xi32, #tpu.memory_space<vmem>>)
      tpu.yield
    }) : () -> ()
    %dma_start3A_11 = arith.constant 0 : i32
    %dma_start3A_12 = arith.constant 0 : i32
    %dma_start3A_13 = tpu.memref_slice %arg2[%dma_start3A_11, %dma_start3A_12] : memref<8192x128xf32, #tpu.memory_space<hbm>> -> memref<8192x128xf32, #tpu.memory_space<hbm>>
    tpu.enqueue_indirect_dma source(%dma_start3A_13 : memref<8192x128xf32, #tpu.memory_space<hbm>>) target(%arg6 : memref<128x128xf32, #tpu.memory_space<vmem>>) offsets(%arg5 : memref<128xi32, #tpu.memory_space<vmem>>) semaphore(%arg7 : memref<!tpu.dma_semaphore, #tpu.memory_space<semaphore_mem>>)
    %dma_wait3A_14 = arith.constant 0 : i32
    %dma_wait3A_15 = arith.constant 0 : i32
    %dma_wait3A_16 = tpu.memref_slice %arg2[%dma_wait3A_14, %dma_wait3A_15] : memref<8192x128xf32, #tpu.memory_space<hbm>> -> memref<8192x128xf32, #tpu.memory_space<hbm>>
    tpu.wait_indirect_dma semaphore(%arg7 : memref<!tpu.dma_semaphore, #tpu.memory_space<semaphore_mem>>) src(%dma_wait3A_16 : memref<8192x128xf32, #tpu.memory_space<hbm>>) dst(%arg6 : memref<128x128xf32, #tpu.memory_space<vmem>>)
    "tpu.region"() ({
      %run_scoped3A = tpu.sem_alloc : memref<!tpu.dma_semaphore, #tpu.memory_space<semaphore_mem>>
      %dma_start3A_33 = arith.constant 0 : i32
      %dma_start3A_34 = tpu.memref_slice %arg4[%add3A_10, %dma_start3A_33] : memref<16384x128xf32, #tpu.memory_space<hbm>> -> memref<128x128xf32, #tpu.memory_space<hbm>>
      %dma_start3A_35 = arith.constant 0 : i32
      %dma_start3A_36 = tpu.memref_slice %arg4[%add3A_10, %dma_start3A_35] : memref<16384x128xf32, #tpu.memory_space<hbm>> -> memref<128x128xf32, #tpu.memory_space<hbm>>
      tpu.enqueue_dma source(%arg6 : memref<128x128xf32, #tpu.memory_space<vmem>>) target(%dma_start3A_36 : memref<128x128xf32, #tpu.memory_space<hbm>>) target_semaphore(%run_scoped3A : memref<!tpu.dma_semaphore, #tpu.memory_space<semaphore_mem>>)
      %dma_wait3A_37 = arith.constant 0 : i32
      %dma_wait3A_38 = tpu.memref_slice %arg4[%add3A_10, %dma_wait3A_37] : memref<16384x128xf32, #tpu.memory_space<hbm>> -> memref<128x128xf32, #tpu.memory_space<hbm>>
      %dma_wait3A_39 = arith.constant 0 : i32
      %dma_wait3A_40 = tpu.memref_slice %arg4[%add3A_10, %dma_wait3A_39] : memref<16384x128xf32, #tpu.memory_space<hbm>> -> memref<128x128xf32, #tpu.memory_space<hbm>>
      tpu.wait_dma2 semaphore(%run_scoped3A : memref<!tpu.dma_semaphore, #tpu.memory_space<semaphore_mem>>) src(%arg6 : memref<128x128xf32, #tpu.memory_space<vmem>>) dst(%dma_wait3A_40 : memref<128x128xf32, #tpu.memory_space<hbm>>)
      tpu.yield
    }) : () -> ()
    %add3A_17 = arith.constant 256 : i32
    %add3A_18 = arith.addi %mul3A_2, %add3A_17 : i32
    "tpu.region"() ({
      %run_scoped3A = tpu.sem_alloc : memref<!tpu.dma_semaphore, #tpu.memory_space<semaphore_mem>>
      %dma_start3A_33 = tpu.memref_slice %arg3[%add3A_18] : memref<16384xi32, #tpu.memory_space<hbm>> -> memref<128xi32, #tpu.memory_space<hbm>>
      %dma_start3A_34 = tpu.memref_slice %arg3[%add3A_18] : memref<16384xi32, #tpu.memory_space<hbm>> -> memref<128xi32, #tpu.memory_space<hbm>>
      tpu.enqueue_dma source(%dma_start3A_34 : memref<128xi32, #tpu.memory_space<hbm>>) target(%arg5 : memref<128xi32, #tpu.memory_space<vmem>>) target_semaphore(%run_scoped3A : memref<!tpu.dma_semaphore, #tpu.memory_space<semaphore_mem>>)
      %dma_wait3A_35 = tpu.memref_slice %arg3[%add3A_18] : memref<16384xi32, #tpu.memory_space<hbm>> -> memref<128xi32, #tpu.memory_space<hbm>>
      %dma_wait3A_36 = tpu.memref_slice %arg3[%add3A_18] : memref<16384xi32, #tpu.memory_space<hbm>> -> memref<128xi32, #tpu.memory_space<hbm>>
      tpu.wait_dma2 semaphore(%run_scoped3A : memref<!tpu.dma_semaphore, #tpu.memory_space<semaphore_mem>>) src(%dma_wait3A_36 : memref<128xi32, #tpu.memory_space<hbm>>) dst(%arg5 : memref<128xi32, #tpu.memory_space<vmem>>)
      tpu.yield
    }) : () -> ()
    %dma_start3A_19 = arith.constant 0 : i32
    %dma_start3A_20 = arith.constant 0 : i32
    %dma_start3A_21 = tpu.memref_slice %arg2[%dma_start3A_19, %dma_start3A_20] : memref<8192x128xf32, #tpu.memory_space<hbm>> -> memref<8192x128xf32, #tpu.memory_space<hbm>>
    tpu.enqueue_indirect_dma source(%dma_start3A_21 : memref<8192x128xf32, #tpu.memory_space<hbm>>) target(%arg6 : memref<128x128xf32, #tpu.memory_space<vmem>>) offsets(%arg5 : memref<128xi32, #tpu.memory_space<vmem>>) semaphore(%arg7 : memref<!tpu.dma_semaphore, #tpu.memory_space<semaphore_mem>>)
    %dma_wait3A_22 = arith.constant 0 : i32
    %dma_wait3A_23 = arith.constant 0 : i32
    %dma_wait3A_24 = tpu.memref_slice %arg2[%dma_wait3A_22, %dma_wait3A_23] : memref<8192x128xf32, #tpu.memory_space<hbm>> -> memref<8192x128xf32, #tpu.memory_space<hbm>>
    tpu.wait_indirect_dma semaphore(%arg7 : memref<!tpu.dma_semaphore, #tpu.memory_space<semaphore_mem>>) src(%dma_wait3A_24 : memref<8192x128xf32, #tpu.memory_space<hbm>>) dst(%arg6 : memref<128x128xf32, #tpu.memory_space<vmem>>)
    "tpu.region"() ({
      %run_scoped3A = tpu.sem_alloc : memref<!tpu.dma_semaphore, #tpu.memory_space<semaphore_mem>>
      %dma_start3A_33 = arith.constant 0 : i32
      %dma_start3A_34 = tpu.memref_slice %arg4[%add3A_18, %dma_start3A_33] : memref<16384x128xf32, #tpu.memory_space<hbm>> -> memref<128x128xf32, #tpu.memory_space<hbm>>
      %dma_start3A_35 = arith.constant 0 : i32
      %dma_start3A_36 = tpu.memref_slice %arg4[%add3A_18, %dma_start3A_35] : memref<16384x128xf32, #tpu.memory_space<hbm>> -> memref<128x128xf32, #tpu.memory_space<hbm>>
      tpu.enqueue_dma source(%arg6 : memref<128x128xf32, #tpu.memory_space<vmem>>) target(%dma_start3A_36 : memref<128x128xf32, #tpu.memory_space<hbm>>) target_semaphore(%run_scoped3A : memref<!tpu.dma_semaphore, #tpu.memory_space<semaphore_mem>>)
      %dma_wait3A_37 = arith.constant 0 : i32
      %dma_wait3A_38 = tpu.memref_slice %arg4[%add3A_18, %dma_wait3A_37] : memref<16384x128xf32, #tpu.memory_space<hbm>> -> memref<128x128xf32, #tpu.memory_space<hbm>>
      %dma_wait3A_39 = arith.constant 0 : i32
      %dma_wait3A_40 = tpu.memref_slice %arg4[%add3A_18, %dma_wait3A_39] : memref<16384x128xf32, #tpu.memory_space<hbm>> -> memref<128x128xf32, #tpu.memory_space<hbm>>
      tpu.wait_dma2 semaphore(%run_scoped3A : memref<!tpu.dma_semaphore, #tpu.memory_space<semaphore_mem>>) src(%arg6 : memref<128x128xf32, #tpu.memory_space<vmem>>) dst(%dma_wait3A_40 : memref<128x128xf32, #tpu.memory_space<hbm>>)
      tpu.yield
    }) : () -> ()
    %add3A_25 = arith.constant 384 : i32
    %add3A_26 = arith.addi %mul3A_2, %add3A_25 : i32
    "tpu.region"() ({
      %run_scoped3A = tpu.sem_alloc : memref<!tpu.dma_semaphore, #tpu.memory_space<semaphore_mem>>
      %dma_start3A_33 = tpu.memref_slice %arg3[%add3A_26] : memref<16384xi32, #tpu.memory_space<hbm>> -> memref<128xi32, #tpu.memory_space<hbm>>
      %dma_start3A_34 = tpu.memref_slice %arg3[%add3A_26] : memref<16384xi32, #tpu.memory_space<hbm>> -> memref<128xi32, #tpu.memory_space<hbm>>
      tpu.enqueue_dma source(%dma_start3A_34 : memref<128xi32, #tpu.memory_space<hbm>>) target(%arg5 : memref<128xi32, #tpu.memory_space<vmem>>) target_semaphore(%run_scoped3A : memref<!tpu.dma_semaphore, #tpu.memory_space<semaphore_mem>>)
      %dma_wait3A_35 = tpu.memref_slice %arg3[%add3A_26] : memref<16384xi32, #tpu.memory_space<hbm>> -> memref<128xi32, #tpu.memory_space<hbm>>
      %dma_wait3A_36 = tpu.memref_slice %arg3[%add3A_26] : memref<16384xi32, #tpu.memory_space<hbm>> -> memref<128xi32, #tpu.memory_space<hbm>>
      tpu.wait_dma2 semaphore(%run_scoped3A : memref<!tpu.dma_semaphore, #tpu.memory_space<semaphore_mem>>) src(%dma_wait3A_36 : memref<128xi32, #tpu.memory_space<hbm>>) dst(%arg5 : memref<128xi32, #tpu.memory_space<vmem>>)
      tpu.yield
    }) : () -> ()
    %dma_start3A_27 = arith.constant 0 : i32
    %dma_start3A_28 = arith.constant 0 : i32
    %dma_start3A_29 = tpu.memref_slice %arg2[%dma_start3A_27, %dma_start3A_28] : memref<8192x128xf32, #tpu.memory_space<hbm>> -> memref<8192x128xf32, #tpu.memory_space<hbm>>
    tpu.enqueue_indirect_dma source(%dma_start3A_29 : memref<8192x128xf32, #tpu.memory_space<hbm>>) target(%arg6 : memref<128x128xf32, #tpu.memory_space<vmem>>) offsets(%arg5 : memref<128xi32, #tpu.memory_space<vmem>>) semaphore(%arg7 : memref<!tpu.dma_semaphore, #tpu.memory_space<semaphore_mem>>)
    %dma_wait3A_30 = arith.constant 0 : i32
    %dma_wait3A_31 = arith.constant 0 : i32
    %dma_wait3A_32 = tpu.memref_slice %arg2[%dma_wait3A_30, %dma_wait3A_31] : memref<8192x128xf32, #tpu.memory_space<hbm>> -> memref<8192x128xf32, #tpu.memory_space<hbm>>
    tpu.wait_indirect_dma semaphore(%arg7 : memref<!tpu.dma_semaphore, #tpu.memory_space<semaphore_mem>>) src(%dma_wait3A_32 : memref<8192x128xf32, #tpu.memory_space<hbm>>) dst(%arg6 : memref<128x128xf32, #tpu.memory_space<vmem>>)
    "tpu.region"() ({
      %run_scoped3A = tpu.sem_alloc : memref<!tpu.dma_semaphore, #tpu.memory_space<semaphore_mem>>
      %dma_start3A_33 = arith.constant 0 : i32
      %dma_start3A_34 = tpu.memref_slice %arg4[%add3A_26, %dma_start3A_33] : memref<16384x128xf32, #tpu.memory_space<hbm>> -> memref<128x128xf32, #tpu.memory_space<hbm>>
      %dma_start3A_35 = arith.constant 0 : i32
      %dma_start3A_36 = tpu.memref_slice %arg4[%add3A_26, %dma_start3A_35] : memref<16384x128xf32, #tpu.memory_space<hbm>> -> memref<128x128xf32, #tpu.memory_space<hbm>>
      tpu.enqueue_dma source(%arg6 : memref<128x128xf32, #tpu.memory_space<vmem>>) target(%dma_start3A_36 : memref<128x128xf32, #tpu.memory_space<hbm>>) target_semaphore(%run_scoped3A : memref<!tpu.dma_semaphore, #tpu.memory_space<semaphore_mem>>)
      %dma_wait3A_37 = arith.constant 0 : i32
      %dma_wait3A_38 = tpu.memref_slice %arg4[%add3A_26, %dma_wait3A_37] : memref<16384x128xf32, #tpu.memory_space<hbm>> -> memref<128x128xf32, #tpu.memory_space<hbm>>
      %dma_wait3A_39 = arith.constant 0 : i32
      %dma_wait3A_40 = tpu.memref_slice %arg4[%add3A_26, %dma_wait3A_39] : memref<16384x128xf32, #tpu.memory_space<hbm>> -> memref<128x128xf32, #tpu.memory_space<hbm>>
      tpu.wait_dma2 semaphore(%run_scoped3A : memref<!tpu.dma_semaphore, #tpu.memory_space<semaphore_mem>>) src(%arg6 : memref<128x128xf32, #tpu.memory_space<vmem>>) dst(%dma_wait3A_40 : memref<128x128xf32, #tpu.memory_space<hbm>>)
      tpu.yield
    }) : () -> ()
    return
  }
}

module attributes {stable_mosaic.version = 14 : i64} {
  func.func @_argmin_body(%arg0: i32, %arg1: i32, %arg2: memref<1x1024x32xbf16, #tpu.memory_space<vmem>>, %arg3: memref<2048x32xbf16, #tpu.memory_space<vmem>>, %arg4: memref<1x1x1024xf32, #tpu.memory_space<vmem>>, %arg5: memref<2048x1xf32, #tpu.memory_space<vmem>>, %arg6: memref<1x1x1024xi32, #tpu.memory_space<vmem>>, %arg7: memref<4096x1024xf32, #tpu.memory_space<vmem>>, %arg8: memref<1x1024xf32, #tpu.memory_space<vmem>>, %arg9: memref<1x1024xi32, #tpu.memory_space<vmem>>, %arg10: memref<1x1024xf32, #tpu.memory_space<vmem>>, %arg11: memref<1x1024xi32, #tpu.memory_space<vmem>>) attributes {dimension_semantics = [#tpu.dimension_semantics<arbitrary>, #tpu.dimension_semantics<arbitrary>], iteration_bounds = array<i64: 16, 4>, scalar_prefetch = 0 : i64, scratch_operands = 5 : i64, tpu.core_type = #tpu.core_type<tc>, window_params = [{transform_indices = @transform_0, window_bounds = array<i64: 1, 1024, 32>}, {transform_indices = @transform_1, window_bounds = array<i64: 2048, 32>}, {transform_indices = @transform_2, window_bounds = array<i64: 1, 1, 1024>}, {transform_indices = @transform_3, window_bounds = array<i64: 2048, 1>}, {transform_indices = @transform_4, window_bounds = array<i64: 1, 1, 1024>}]} {
    %get3A = arith.constant 0 : index
    %get3A_0 = arith.constant 0 : index
    %get3A_1 = arith.constant 0 : index
    %get3A_2 = vector.load %arg2[%get3A, %get3A_0, %get3A_1] : memref<1x1024x32xbf16, #tpu.memory_space<vmem>>, vector<1x1024x32xbf16>
    %get3A_3 = vector.shape_cast %get3A_2 : vector<1x1024x32xbf16> to vector<1024x32xbf16>
    %get3A_4 = arith.constant 0 : index
    %get3A_5 = arith.constant 0 : index
    %get3A_6 = vector.load %arg3[%get3A_4, %get3A_5] : memref<2048x32xbf16, #tpu.memory_space<vmem>>, vector<2048x32xbf16>
    %dot_general3A = arith.constant dense<0.000000e+00> : vector<2048x1024xf32>
    %dot_general3A_7 = tpu.matmul %get3A_6, %get3A_3, %dot_general3A {dimension_numbers = #tpu.dot_dimension_numbers<[1], [1], [0], [0], [0, 0, 1, 0], [], []>, transpose_lhs_hint = false} : vector<2048x32xbf16>, vector<1024x32xbf16>, vector<2048x1024xf32> -> vector<2048x1024xf32>
    %get3A_8 = arith.constant 0 : index
    %get3A_9 = arith.constant 0 : index
    %get3A_10 = arith.constant 0 : index
    %get3A_11 = vector.load %arg4[%get3A_8, %get3A_9, %get3A_10] : memref<1x1x1024xf32, #tpu.memory_space<vmem>>, vector<1x1x1024xf32>
    %get3A_12 = vector.shape_cast %get3A_11 : vector<1x1x1024xf32> to vector<1x1024xf32>
    %get3A_13 = arith.constant 0 : index
    %get3A_14 = arith.constant 0 : index
    %get3A_15 = vector.load %arg5[%get3A_13, %get3A_14] : memref<2048x1xf32, #tpu.memory_space<vmem>>, vector<2048x1xf32>
    %add3A = vector.broadcast %get3A_12 : vector<1x1024xf32> to vector<2048x1024xf32>
    %add3A_16 = vector.broadcast %get3A_15 : vector<2048x1xf32> to vector<2048x1024xf32>
    %add3A_17 = arith.addf %add3A, %add3A_16 : vector<2048x1024xf32>
    %sub3A = arith.subf %add3A_17, %dot_general3A_7 : vector<2048x1024xf32>
    %jit3A = arith.constant 2 : i32
    %eq3A = arith.constant 0 : i32
    %eq3A_18 = arith.cmpi eq, %jit3A, %eq3A : i32
    %jit3A_19 = arith.constant 1 : i32
    %select_n3A = arith.select %eq3A_18, %jit3A_19, %jit3A : i32
    %rem3A = arith.remsi %arg1, %select_n3A : i32
    %ne3A = arith.constant 0 : i32
    %ne3A_20 = arith.cmpi ne, %rem3A, %ne3A : i32
    %lt3A = arith.constant 0 : i32
    %lt3A_21 = arith.cmpi slt, %rem3A, %lt3A : i32
    %lt3A_22 = arith.constant 0 : i32
    %lt3A_23 = arith.cmpi slt, %select_n3A, %lt3A_22 : i32
    %ne3A_24 = arith.xori %lt3A_21, %lt3A_23 : i1
    %and3A = arith.andi %ne3A_24, %ne3A_20 : i1
    %add3A_25 = arith.addi %rem3A, %select_n3A : i32
    %select_n3A_26 = arith.select %and3A, %add3A_25, %rem3A : i32
    %mul3A = arith.constant 2048 : i32
    %mul3A_27 = arith.muli %select_n3A_26, %mul3A : i32
    %swap3A = arith.index_cast %mul3A_27 : i32 to index
    %swap3A_28 = arith.constant 0 : index
    %swap3A_29 = vector.load %arg7[%swap3A, %swap3A_28] : memref<4096x1024xf32, #tpu.memory_space<vmem>>, vector<2048x1024xf32>
    tpu.vector_store %arg7[%swap3A, %swap3A_28], %sub3A {strides = array<i32>} : memref<4096x1024xf32, #tpu.memory_space<vmem>>, vector<2048x1024xf32>,
    %reduce_min3A = arith.constant dense<0x7F800000> : vector<1024xf32>
    %reduce_min3A_30 = vector.multi_reduction <minimumf>, %sub3A, %reduce_min3A [0] : vector<2048x1024xf32> to vector<1024xf32>
    %broadcast_in_dim3A = vector.shape_cast %reduce_min3A_30 : vector<1024xf32> to vector<1x1024xf32>
    %jit3A_31 = arith.constant 2 : i32
    %eq3A_32 = arith.constant 0 : i32
    %eq3A_33 = arith.cmpi eq, %jit3A_31, %eq3A_32 : i32
    %jit3A_34 = arith.constant 1 : i32
    %select_n3A_35 = arith.select %eq3A_33, %jit3A_34, %jit3A_31 : i32
    %rem3A_36 = arith.remsi %arg1, %select_n3A_35 : i32
    %ne3A_37 = arith.constant 0 : i32
    %ne3A_38 = arith.cmpi ne, %rem3A_36, %ne3A_37 : i32
    %lt3A_39 = arith.constant 0 : i32
    %lt3A_40 = arith.cmpi slt, %rem3A_36, %lt3A_39 : i32
    %lt3A_41 = arith.constant 0 : i32
    %lt3A_42 = arith.cmpi slt, %select_n3A_35, %lt3A_41 : i32
    %ne3A_43 = arith.xori %lt3A_40, %lt3A_42 : i1
    %and3A_44 = arith.andi %ne3A_43, %ne3A_38 : i1
    %add3A_45 = arith.addi %rem3A_36, %select_n3A_35 : i32
    %select_n3A_46 = arith.select %and3A_44, %add3A_45, %rem3A_36 : i32
    %eq3A_47 = arith.constant 0 : i32
    %eq3A_48 = arith.cmpi eq, %select_n3A_46, %eq3A_47 : i32
    %convert_element_type3A = arith.extui %eq3A_48 : i1 to i32
    %cond3A = arith.constant 0 : i32
    %cond3A_49 = arith.cmpi ne, %convert_element_type3A, %cond3A : i32
    scf.if %cond3A_49 {
      %swap3A_97 = arith.constant 0 : index
      %swap3A_98 = arith.constant 0 : index
      %swap3A_99 = vector.load %arg8[%swap3A_97, %swap3A_98] : memref<1x1024xf32, #tpu.memory_space<vmem>>, vector<1x1024xf32>
      tpu.vector_store %arg8[%swap3A_97, %swap3A_98], %broadcast_in_dim3A {strides = array<i32>} : memref<1x1024xf32, #tpu.memory_space<vmem>>, vector<1x1024xf32>,
    } else {
    }
    %jit3A_50 = arith.constant 2 : i32
    %eq3A_51 = arith.constant 0 : i32
    %eq3A_52 = arith.cmpi eq, %jit3A_50, %eq3A_51 : i32
    %jit3A_53 = arith.constant 1 : i32
    %select_n3A_54 = arith.select %eq3A_52, %jit3A_53, %jit3A_50 : i32
    %rem3A_55 = arith.remsi %arg1, %select_n3A_54 : i32
    %ne3A_56 = arith.constant 0 : i32
    %ne3A_57 = arith.cmpi ne, %rem3A_55, %ne3A_56 : i32
    %lt3A_58 = arith.constant 0 : i32
    %lt3A_59 = arith.cmpi slt, %rem3A_55, %lt3A_58 : i32
    %lt3A_60 = arith.constant 0 : i32
    %lt3A_61 = arith.cmpi slt, %select_n3A_54, %lt3A_60 : i32
    %ne3A_62 = arith.xori %lt3A_59, %lt3A_61 : i1
    %and3A_63 = arith.andi %ne3A_62, %ne3A_57 : i1
    %add3A_64 = arith.addi %rem3A_55, %select_n3A_54 : i32
    %select_n3A_65 = arith.select %and3A_63, %add3A_64, %rem3A_55 : i32
    %ne3A_66 = arith.constant 0 : i32
    %ne3A_67 = arith.cmpi ne, %select_n3A_65, %ne3A_66 : i32
    %convert_element_type3A_68 = arith.extui %ne3A_67 : i1 to i32
    %cond3A_69 = arith.constant 0 : i32
    %cond3A_70 = arith.cmpi ne, %convert_element_type3A_68, %cond3A_69 : i32
    scf.if %cond3A_70 {
      %get3A_97 = arith.constant 0 : index
      %get3A_98 = arith.constant 0 : index
      %get3A_99 = vector.load %arg8[%get3A_97, %get3A_98] : memref<1x1024xf32, #tpu.memory_space<vmem>>, vector<1x1024xf32>
      %min3A = arith.minimumf %broadcast_in_dim3A, %get3A_99 : vector<1x1024xf32>
      %swap3A_100 = arith.constant 0 : index
      %swap3A_101 = arith.constant 0 : index
      %swap3A_102 = vector.load %arg8[%swap3A_100, %swap3A_101] : memref<1x1024xf32, #tpu.memory_space<vmem>>, vector<1x1024xf32>
      tpu.vector_store %arg8[%swap3A_100, %swap3A_101], %min3A {strides = array<i32>} : memref<1x1024xf32, #tpu.memory_space<vmem>>, vector<1x1024xf32>,
    } else {
    }
    %jit3A_71 = arith.constant 2 : i32
    %eq3A_72 = arith.constant 0 : i32
    %eq3A_73 = arith.cmpi eq, %jit3A_71, %eq3A_72 : i32
    %jit3A_74 = arith.constant 1 : i32
    %select_n3A_75 = arith.select %eq3A_73, %jit3A_74, %jit3A_71 : i32
    %rem3A_76 = arith.remsi %arg1, %select_n3A_75 : i32
    %ne3A_77 = arith.constant 0 : i32
    %ne3A_78 = arith.cmpi ne, %rem3A_76, %ne3A_77 : i32
    %lt3A_79 = arith.constant 0 : i32
    %lt3A_80 = arith.cmpi slt, %rem3A_76, %lt3A_79 : i32
    %lt3A_81 = arith.constant 0 : i32
    %lt3A_82 = arith.cmpi slt, %select_n3A_75, %lt3A_81 : i32
    %ne3A_83 = arith.xori %lt3A_80, %lt3A_82 : i1
    %and3A_84 = arith.andi %ne3A_83, %ne3A_78 : i1
    %add3A_85 = arith.addi %rem3A_76, %select_n3A_75 : i32
    %select_n3A_86 = arith.select %and3A_84, %add3A_85, %rem3A_76 : i32
    %eq3A_87 = arith.constant 1 : i32
    %eq3A_88 = arith.cmpi eq, %select_n3A_86, %eq3A_87 : i32
    %convert_element_type3A_89 = arith.extui %eq3A_88 : i1 to i32
    %cond3A_90 = arith.constant 0 : i32
    %cond3A_91 = arith.cmpi ne, %convert_element_type3A_89, %cond3A_90 : i32
    scf.if %cond3A_91 {
      %get3A_97 = arith.constant 0 : index
      %get3A_98 = arith.constant 0 : index
      %get3A_99 = vector.load %arg8[%get3A_97, %get3A_98] : memref<1x1024xf32, #tpu.memory_space<vmem>>, vector<1x1024xf32>
      %get3A_100 = arith.constant 0 : index
      %get3A_101 = arith.constant 0 : index
      %get3A_102 = vector.load %arg7[%get3A_100, %get3A_101] : memref<4096x1024xf32, #tpu.memory_space<vmem>>, vector<4096x1024xf32>
      %iota3A = tpu.iota {dimensions = array<i32: 0>} : vector<4096x1024xi32>
      %eq3A_103 = vector.broadcast %get3A_99 : vector<1x1024xf32> to vector<4096x1024xf32>
      %eq3A_104 = arith.cmpf oeq, %get3A_102, %eq3A_103 : vector<4096x1024xf32>
      %jit3A_105 = arith.constant 2147483647 : i32
      %broadcast_in_dim3A_106 = vector.broadcast %jit3A_105 : i32 to vector<4096x1024xi32>
      %select_n3A_107 = arith.select %eq3A_104, %iota3A, %broadcast_in_dim3A_106 : vector<4096x1024xi1>, vector<4096x1024xi32>
      %reduce_min3A_108 = arith.constant dense<2147483647> : vector<1024xi32>
      %reduce_min3A_109 = vector.multi_reduction <minsi>, %select_n3A_107, %reduce_min3A_108 [0] : vector<4096x1024xi32> to vector<1024xi32>
      %broadcast_in_dim3A_110 = vector.shape_cast %reduce_min3A_109 : vector<1024xi32> to vector<1x1024xi32>
      %jit3A_111 = arith.constant 2 : i32
      %div3A = arith.divsi %arg1, %jit3A_111 : i32
      %sign3A = arith.constant 0 : i32
      %sign3A_112 = arith.cmpi sgt, %arg1, %sign3A : i32
      %sign3A_113 = arith.extui %sign3A_112 : i1 to i32
      %sign3A_114 = arith.constant 0 : i32
      %sign3A_115 = arith.cmpi slt, %arg1, %sign3A_114 : i32
      %sign3A_116 = arith.extui %sign3A_115 : i1 to i32
      %sign3A_117 = arith.subi %sign3A_113, %sign3A_116 : i32
      %sign3A_118 = arith.constant 0 : i32
      %sign3A_119 = arith.cmpi sgt, %jit3A_111, %sign3A_118 : i32
      %sign3A_120 = arith.extui %sign3A_119 : i1 to i32
      %sign3A_121 = arith.constant 0 : i32
      %sign3A_122 = arith.cmpi slt, %jit3A_111, %sign3A_121 : i32
      %sign3A_123 = arith.extui %sign3A_122 : i1 to i32
      %sign3A_124 = arith.subi %sign3A_120, %sign3A_123 : i32
      %ne3A_125 = arith.cmpi ne, %sign3A_117, %sign3A_124 : i32
      %rem3A_126 = arith.remsi %arg1, %jit3A_111 : i32
      %ne3A_127 = arith.constant 0 : i32
      %ne3A_128 = arith.cmpi ne, %rem3A_126, %ne3A_127 : i32
      %and3A_129 = arith.andi %ne3A_125, %ne3A_128 : i1
      %sub3A_130 = arith.constant 1 : i32
      %sub3A_131 = arith.subi %div3A, %sub3A_130 : i32
      %select_n3A_132 = arith.select %and3A_129, %sub3A_131, %div3A : i32
      %mul3A_133 = arith.constant 4096 : i32
      %mul3A_134 = arith.muli %select_n3A_132, %mul3A_133 : i32
      %add3A_135 = vector.broadcast %mul3A_134 : i32 to vector<1x1024xi32>
      %add3A_136 = arith.addi %broadcast_in_dim3A_110, %add3A_135 : vector<1x1024xi32>
      %convert_element_type3A_137 = arith.truncf %get3A_99 : vector<1x1024xf32> to vector<1x1024xbf16>
      %convert_element_type3A_138 = arith.extf %convert_element_type3A_137 : vector<1x1024xbf16> to vector<1x1024xf32>
      %eq3A_139 = arith.constant 1 : i32
      %eq3A_140 = arith.cmpi eq, %arg1, %eq3A_139 : i32
      %convert_element_type3A_141 = arith.extui %eq3A_140 : i1 to i32
      %cond3A_142 = arith.constant 0 : i32
      %cond3A_143 = arith.cmpi ne, %convert_element_type3A_141, %cond3A_142 : i32
      scf.if %cond3A_143 {
        %swap3A_148 = arith.constant 0 : index
        %swap3A_149 = arith.constant 0 : index
        %swap3A_150 = vector.load %arg10[%swap3A_148, %swap3A_149] : memref<1x1024xf32, #tpu.memory_space<vmem>>, vector<1x1024xf32>
        tpu.vector_store %arg10[%swap3A_148, %swap3A_149], %convert_element_type3A_138 {strides = array<i32>} : memref<1x1024xf32, #tpu.memory_space<vmem>>, vector<1x1024xf32>,
        %swap3A_151 = arith.constant 0 : index
        %swap3A_152 = arith.constant 0 : index
        %swap3A_153 = vector.load %arg11[%swap3A_151, %swap3A_152] : memref<1x1024xi32, #tpu.memory_space<vmem>>, vector<1x1024xi32>
        tpu.vector_store %arg11[%swap3A_151, %swap3A_152], %add3A_136 {strides = array<i32>} : memref<1x1024xi32, #tpu.memory_space<vmem>>, vector<1x1024xi32>,
      } else {
      }
      %gt3A = arith.constant 1 : i32
      %gt3A_144 = arith.cmpi sgt, %arg1, %gt3A : i32
      %convert_element_type3A_145 = arith.extui %gt3A_144 : i1 to i32
      %cond3A_146 = arith.constant 0 : i32
      %cond3A_147 = arith.cmpi ne, %convert_element_type3A_145, %cond3A_146 : i32
      scf.if %cond3A_147 {
        %get3A_148 = arith.constant 0 : index
        %get3A_149 = arith.constant 0 : index
        %get3A_150 = vector.load %arg10[%get3A_148, %get3A_149] : memref<1x1024xf32, #tpu.memory_space<vmem>>, vector<1x1024xf32>
        %gt3A_151 = arith.cmpf ogt, %get3A_150, %get3A_99 : vector<1x1024xf32>
        %get3A_152 = arith.constant 0 : index
        %get3A_153 = arith.constant 0 : index
        %get3A_154 = vector.load %arg10[%get3A_152, %get3A_153] : memref<1x1024xf32, #tpu.memory_space<vmem>>, vector<1x1024xf32>
        %select_n3A_155 = arith.select %gt3A_151, %convert_element_type3A_138, %get3A_154 : vector<1x1024xi1>, vector<1x1024xf32>
        %swap3A_156 = arith.constant 0 : index
        %swap3A_157 = arith.constant 0 : index
        %swap3A_158 = vector.load %arg10[%swap3A_156, %swap3A_157] : memref<1x1024xf32, #tpu.memory_space<vmem>>, vector<1x1024xf32>
        tpu.vector_store %arg10[%swap3A_156, %swap3A_157], %select_n3A_155 {strides = array<i32>} : memref<1x1024xf32, #tpu.memory_space<vmem>>, vector<1x1024xf32>,
        %get3A_159 = arith.constant 0 : index
        %get3A_160 = arith.constant 0 : index
        %get3A_161 = vector.load %arg11[%get3A_159, %get3A_160] : memref<1x1024xi32, #tpu.memory_space<vmem>>, vector<1x1024xi32>
        %select_n3A_162 = arith.select %gt3A_151, %add3A_136, %get3A_161 : vector<1x1024xi1>, vector<1x1024xi32>
        %swap3A_163 = arith.constant 0 : index
        %swap3A_164 = arith.constant 0 : index
        %swap3A_165 = vector.load %arg11[%swap3A_163, %swap3A_164] : memref<1x1024xi32, #tpu.memory_space<vmem>>, vector<1x1024xi32>
        tpu.vector_store %arg11[%swap3A_163, %swap3A_164], %select_n3A_162 {strides = array<i32>} : memref<1x1024xi32, #tpu.memory_space<vmem>>, vector<1x1024xi32>,
      } else {
      }
    } else {
    }
    %eq3A_92 = arith.constant 3 : i32
    %eq3A_93 = arith.cmpi eq, %arg1, %eq3A_92 : i32
    %convert_element_type3A_94 = arith.extui %eq3A_93 : i1 to i32
    %cond3A_95 = arith.constant 0 : i32
    %cond3A_96 = arith.cmpi ne, %convert_element_type3A_94, %cond3A_95 : i32
    scf.if %cond3A_96 {
      %get3A_97 = arith.constant 0 : index
      %get3A_98 = arith.constant 0 : index
      %get3A_99 = vector.load %arg11[%get3A_97, %get3A_98] : memref<1x1024xi32, #tpu.memory_space<vmem>>, vector<1x1024xi32>
      %swap3A_100 = arith.constant 0 : index
      %swap3A_101 = arith.constant 0 : index
      %swap3A_102 = arith.constant 0 : index
      %swap3A_103 = vector.load %arg6[%swap3A_100, %swap3A_101, %swap3A_102] : memref<1x1x1024xi32, #tpu.memory_space<vmem>>, vector<1x1x1024xi32>
      %swap3A_104 = vector.shape_cast %swap3A_103 : vector<1x1x1024xi32> to vector<1x1024xi32>
      %swap3A_105 = vector.shape_cast %get3A_99 : vector<1x1024xi32> to vector<1x1x1024xi32>
      tpu.vector_store %arg6[%swap3A_100, %swap3A_101, %swap3A_102], %swap3A_105 {strides = array<i32>} : memref<1x1x1024xi32, #tpu.memory_space<vmem>>, vector<1x1x1024xi32>,
    } else {
    }
    return
  }
  func.func @transform_0(%arg0: i32, %arg1: i32) -> (i32, i32, i32) {
    %c0_i32 = arith.constant 0 : i32
    %c0_i32_0 = arith.constant 0 : i32
    %c0_i32_1 = arith.constant 0 : i32
    return %arg0, %c0_i32, %c0_i32_0 : i32, i32, i32
  }
  func.func @transform_1(%arg0: i32, %arg1: i32) -> (i32, i32) {
    %c0_i32 = arith.constant 0 : i32
    %c0_i32_0 = arith.constant 0 : i32
    return %arg1, %c0_i32 : i32, i32
  }
  func.func @transform_2(%arg0: i32, %arg1: i32) -> (i32, i32, i32) {
    %c0_i32 = arith.constant 0 : i32
    %c0_i32_0 = arith.constant 0 : i32
    %c0_i32_1 = arith.constant 0 : i32
    return %arg0, %c0_i32, %c0_i32_0 : i32, i32, i32
  }
  func.func @transform_3(%arg0: i32, %arg1: i32) -> (i32, i32) {
    %c0_i32 = arith.constant 0 : i32
    %c0_i32_0 = arith.constant 0 : i32
    return %arg1, %c0_i32 : i32, i32
  }
  func.func @transform_4(%arg0: i32, %arg1: i32) -> (i32, i32, i32) {
    %c0_i32 = arith.constant 0 : i32
    %c0_i32_0 = arith.constant 0 : i32
    %c0_i32_1 = arith.constant 0 : i32
    return %arg0, %c0_i32, %c0_i32_0 : i32, i32, i32
  }
}

module attributes {stable_mosaic.version = 14 : i64} {
  func.func @_finalize_body(%arg0: i32, %arg1: memref<1x1024x128xf32, #tpu.memory_space<vmem>>, %arg2: memref<1x1024x32xf32, #tpu.memory_space<vmem>>, %arg3: memref<1x1024x32xf32, #tpu.memory_space<vmem>>, %arg4: memref<1x1xf32, #tpu.memory_space<vmem>>, %arg5: memref<1x1xf32, #tpu.memory_space<smem>>) attributes {dimension_semantics = [#tpu.dimension_semantics<arbitrary>], iteration_bounds = array<i64: 16>, scalar_prefetch = 0 : i64, scratch_operands = 1 : i64, tpu.core_type = #tpu.core_type<tc>, window_params = [{transform_indices = @transform_0, window_bounds = array<i64: 1, 1024, 128>}, {transform_indices = @transform_1, window_bounds = array<i64: 1, 1024, 32>}, {transform_indices = @transform_2, window_bounds = array<i64: 1, 1024, 32>}, {pipeline_mode = #tpu.pipeline_mode<synchronous>, transform_indices = @transform_3, window_bounds = array<i64: 1, 1>}]} {
    %get3A = arith.constant 0 : index
    %get3A_0 = arith.constant 0 : index
    %get3A_1 = arith.constant 0 : index
    %get3A_2 = vector.load %arg1[%get3A, %get3A_0, %get3A_1] : memref<1x1024x128xf32, #tpu.memory_space<vmem>>, vector<1x1024x128xf32>
    %get3A_3 = vector.shape_cast %get3A_2 : vector<1x1024x128xf32> to vector<1024x128xf32>
    %slice3A = vector.extract_strided_slice %get3A_3 {offsets = [0, 0], sizes = [1024, 32], strides = [1, 1]} : vector<1024x128xf32> to vector<1024x32xf32>
    %get3A_4 = arith.constant 0 : index
    %get3A_5 = arith.constant 0 : index
    %get3A_6 = arith.constant 0 : index
    %get3A_7 = vector.load %arg2[%get3A_4, %get3A_5, %get3A_6] : memref<1x1024x32xf32, #tpu.memory_space<vmem>>, vector<1x1024x32xf32>
    %get3A_8 = vector.shape_cast %get3A_7 : vector<1x1024x32xf32> to vector<1024x32xf32>
    %mul3A = arith.mulf %slice3A, %slice3A : vector<1024x32xf32>
    %reduce_sum3A = arith.constant dense<0.000000e+00> : vector<32xf32>
    %reduce_sum3A_9 = vector.multi_reduction <add>, %mul3A, %reduce_sum3A [0] : vector<1024x32xf32> to vector<32xf32>
    %broadcast_in_dim3A = vector.shape_cast %reduce_sum3A_9 : vector<32xf32> to vector<1x32xf32>
    %sqrt3A = math.sqrt %broadcast_in_dim3A : vector<1x32xf32>
    %max3A = arith.constant 9.99999996E-13 : f32
    %max3A_10 = vector.broadcast %max3A : f32 to vector<1x32xf32>
    %max3A_11 = arith.maximumf %sqrt3A, %max3A_10 : vector<1x32xf32>
    %div3A = vector.broadcast %max3A_11 : vector<1x32xf32> to vector<1024x32xf32>
    %div3A_12 = arith.divf %slice3A, %div3A : vector<1024x32xf32>
    %sub3A = arith.subf %div3A_12, %get3A_8 : vector<1024x32xf32>
    %add3A = arith.addf %get3A_8, %sub3A : vector<1024x32xf32>
    %swap3A = arith.constant 0 : index
    %swap3A_13 = arith.constant 0 : index
    %swap3A_14 = arith.constant 0 : index
    %swap3A_15 = vector.load %arg3[%swap3A, %swap3A_13, %swap3A_14] : memref<1x1024x32xf32, #tpu.memory_space<vmem>>, vector<1x1024x32xf32>
    %swap3A_16 = vector.shape_cast %swap3A_15 : vector<1x1024x32xf32> to vector<1024x32xf32>
    %swap3A_17 = vector.shape_cast %add3A : vector<1024x32xf32> to vector<1x1024x32xf32>
    tpu.vector_store %arg3[%swap3A, %swap3A_13, %swap3A_14], %swap3A_17 {strides = array<i32>} : memref<1x1024x32xf32, #tpu.memory_space<vmem>>, vector<1x1024x32xf32>,
    %sub3A_18 = arith.subf %div3A_12, %get3A_8 : vector<1024x32xf32>
    %integer_pow3A = arith.mulf %sub3A_18, %sub3A_18 : vector<1024x32xf32>
    %reduce_sum3A_19 = vector.shape_cast %integer_pow3A : vector<1024x32xf32> to vector<1x1024x32xf32>
    %reduce_sum3A_20 = arith.constant dense<0.000000e+00> : vector<1xf32>
    %reduce_sum3A_21 = vector.multi_reduction <add>, %reduce_sum3A_19, %reduce_sum3A_20 [1, 2] : vector<1x1024x32xf32> to vector<1xf32>
    %reduce_sum3A_22 = vector.shape_cast %reduce_sum3A_21 : vector<1xf32> to vector<1x1x1xf32>
    %reduce_sum3A_23 = vector.extract %reduce_sum3A_22[0, 0, 0] : f32 from vector<1x1x1xf32>
    %eq3A = arith.constant 0 : i32
    %eq3A_24 = arith.cmpi eq, %arg0, %eq3A : i32
    %convert_element_type3A = arith.extui %eq3A_24 : i1 to i32
    %cond3A = arith.constant 0 : i32
    %cond3A_25 = arith.cmpi ne, %convert_element_type3A, %cond3A : i32
    scf.if %cond3A_25 {
      %swap3A_35 = arith.constant 0 : index
      %swap3A_36 = arith.constant 0 : index
      %swap3A_37 = memref.load %arg5[%swap3A_35, %swap3A_36] : memref<1x1xf32, #tpu.memory_space<smem>>
      memref.store %reduce_sum3A_23, %arg5[%swap3A_35, %swap3A_36] : memref<1x1xf32, #tpu.memory_space<smem>>
    } else {
    }
    %gt3A = arith.constant 0 : i32
    %gt3A_26 = arith.cmpi sgt, %arg0, %gt3A : i32
    %convert_element_type3A_27 = arith.extui %gt3A_26 : i1 to i32
    %cond3A_28 = arith.constant 0 : i32
    %cond3A_29 = arith.cmpi ne, %convert_element_type3A_27, %cond3A_28 : i32
    scf.if %cond3A_29 {
      %get3A_35 = arith.constant 0 : index
      %get3A_36 = arith.constant 0 : index
      %get3A_37 = memref.load %arg5[%get3A_35, %get3A_36] : memref<1x1xf32, #tpu.memory_space<smem>>
      %add3A_38 = arith.addf %get3A_37, %reduce_sum3A_23 : f32
      %swap3A_39 = arith.constant 0 : index
      %swap3A_40 = arith.constant 0 : index
      %swap3A_41 = memref.load %arg5[%swap3A_39, %swap3A_40] : memref<1x1xf32, #tpu.memory_space<smem>>
      memref.store %add3A_38, %arg5[%swap3A_39, %swap3A_40] : memref<1x1xf32, #tpu.memory_space<smem>>
    } else {
    }
    %eq3A_30 = arith.constant 15 : i32
    %eq3A_31 = arith.cmpi eq, %arg0, %eq3A_30 : i32
    %convert_element_type3A_32 = arith.extui %eq3A_31 : i1 to i32
    %cond3A_33 = arith.constant 0 : i32
    %cond3A_34 = arith.cmpi ne, %convert_element_type3A_32, %cond3A_33 : i32
    scf.if %cond3A_34 {
      %get3A_35 = arith.constant 0 : index
      %get3A_36 = arith.constant 0 : index
      %get3A_37 = memref.load %arg5[%get3A_35, %get3A_36] : memref<1x1xf32, #tpu.memory_space<smem>>
      %div3A_38 = arith.constant 5.242880e+05 : f32
      %div3A_39 = arith.divf %get3A_37, %div3A_38 : f32
      %mul3A_40 = arith.constant 2.500000e-01 : f32
      %mul3A_41 = arith.mulf %mul3A_40, %div3A_39 : f32
      %add3A_42 = arith.addf %div3A_39, %mul3A_41 : f32
      %broadcast_in_dim3A_43 = vector.broadcast %add3A_42 : f32 to vector<1x1xf32>
      %swap3A_44 = arith.constant 0 : index
      %swap3A_45 = arith.constant 0 : index
      %swap3A_46 = vector.load %arg4[%swap3A_44, %swap3A_45] : memref<1x1xf32, #tpu.memory_space<vmem>>, vector<1x1xf32>
      tpu.vector_store %arg4[%swap3A_44, %swap3A_45], %broadcast_in_dim3A_43 {strides = array<i32>} : memref<1x1xf32, #tpu.memory_space<vmem>>, vector<1x1xf32>,
    } else {
    }
    return
  }
  func.func @transform_0(%arg0: i32) -> (i32, i32, i32) {
    %c0_i32 = arith.constant 0 : i32
    %c0_i32_0 = arith.constant 0 : i32
    %c0_i32_1 = arith.constant 0 : i32
    return %arg0, %c0_i32, %c0_i32_0 : i32, i32, i32
  }
  func.func @transform_1(%arg0: i32) -> (i32, i32, i32) {
    %c0_i32 = arith.constant 0 : i32
    %c0_i32_0 = arith.constant 0 : i32
    %c0_i32_1 = arith.constant 0 : i32
    return %arg0, %c0_i32, %c0_i32_0 : i32, i32, i32
  }
  func.func @transform_2(%arg0: i32) -> (i32, i32, i32) {
    %c0_i32 = arith.constant 0 : i32
    %c0_i32_0 = arith.constant 0 : i32
    %c0_i32_1 = arith.constant 0 : i32
    return %arg0, %c0_i32, %c0_i32_0 : i32, i32, i32
  }
  func.func @transform_3(%arg0: i32) -> (i32, i32) {
    %c0_i32 = arith.constant 0 : i32
    %c0_i32_0 = arith.constant 0 : i32
    %c0_i32_1 = arith.constant 0 : i32
    return %c0_i32, %c0_i32_0 : i32, i32
  }
}

</mosaic_0001>

<sc_bundles>
// kernel: kernel.5.cloned.1.call-start
scs
__scs_entry_jumppad:
0x0: {  	(pc) =	sbr.rel $0x88, $3  }
0x1: {  	(tag) =	ssettag $0x0;
	lr =	simm.s32 $0x1  }
0x2: {  	[smem:$0x3F9F] =	sst lr;
	_ =	strace $0xD0000000  }
0x3: {  	_ = 	snop  }
0x4: {  	_ = 	snop  }
0x5: {  	_ = 	snop  }
0x6: {  	_ = 	snop  }
0x7: {  	_ = 	snop  }
__scs_overlays_trampoline_lowered:
0x8: {  	[smem:$0x3FAE] =	sst s0  }
0x9: {  	[smem:$0x3FAF] =	sst s1  }
0xa: {  	[smem:$0x3FB0] =	sst s2  }
0xb: {  	[smem:$0x3FB1] =	sst s3  }
0xc: {  	[smem:$0x3FB2] =	sst s4  }
0xd: {  	[smem:$0x3FB3] =	sst s5  }
0xe: {  	[smem:$0x3FB4] =	sst s6  }
0xf: {  	[smem:$0x3FB5] =	sst s7  }
0x10: {  	[smem:$0x3FB6] =	sst s8  }
0x11: {  	[smem:$0x3FB7] =	sst s9;
	s0 =	simm.s32 @!p0 $0x0  }
0x12: {  	s1 =	sld [smem:$0x3F9D];
	s0 =	simm.s32 @p0 $0x1  }
0x13: {  	[smem:$0x3FB8] =	sst s0;
	s0 =	simm.s32 @!p1 $0x0  }
0x14: {  	s2 =	sld [smem:$0x3F9C];
	s0 =	simm.s32 @p1 $0x1  }
0x15: {  	[smem:$0x3FB9] =	sst s0;
	s0 =	simm.s32 @!p2 $0x0  }
0x16: {  	s3 =	sld [smem:$0x3FDB];
	s0 =	simm.s32 @p2 $0x1  }
0x17: {  	s4 =	simm.s32 $0x1BF5;
	[smem:$0x3FBB] =	sst s0  }
0x18: {  	s0 =	sld [smem:$0x3F9E];
	_ =	swait.ge [sflag:s4], $0x0  }
0x19: {  	s7 =	sld [smem:$0x3F9F]  }
0x1a: {  	s8 =	sadd.s32 $0xFFFFE003, lr  }
0x1b: {  	s9 =	sadd.s32 $0xFFFFFEF7, lr;
	s5 =	simm.s32 $0xFFFFFFFF;
	p2 =	slt.u32 s8, $0xFFFFF086  }
0x1c: {  	p1 =	slt.u32 s9, $0xF7A;
	s5 =	simm.s32 @!p2 $0x0  }
0x1d: {  	s5 =	simm.s32 @p1 $0x1;
	p0 =	seq.s32 s7, s2  }
0x1e: {  	s7 =	smul.u32 @!p0 $0xF7A, s2;
	p2 =	seq.s32 @!p0 s5, $0x0  }
0x1f: {  	s9 =	smul.u32 $0xF7A, s1;
	s8 =	simm.s32 @!p0 $0x1BF5;
	p2 =	por !p2, p0  }
0x20: {  	[sflag:s8] =	ssyncset.s32 @!p0 $0xFFFFF086;
	s6 =	sadd.s32 @!p0 s3, s7;
	s7 =	simm.s32 @!p0 $0x108  }
0x21: {  	s3 =	sadd.s32 s3, s9;
	s6 =	sadd.s32 @!p0 $0x88, s6;
	s7 =	simm.s32 @p2 $0x1082  }
0x22: {  	[simem:s7], [sflag:s8] =	dma.local @!p0 [hbm:s6], $0xF7A  }
0x23: {  	s9 =	sor.u32 $0xD0000000, s2;
	s6 =	simm.s32 $0x108;
	_ =	swait.ge @!p0 [sflag:s8], $0x0  }
0x24: {  	s3 =	sadd.s32 $0x88, s3;
	s6 =	simm.s32 @!p1 $0x1082;
	[sflag:s4] =	ssyncset.s32 $0xFFFFF086  }
0x25: {  	[simem:s6], [sflag:s4] =	dma.local [hbm:s3], $0xF7A  }
0x26: {  	[smem:$0x3F9F] =	sst s1;
	(tag) =	ssettag s2;
	_ =	strace s9  }
0x27: {  	s1 =	sld [smem:$0x3FAF]  }
0x28: {  	s2 =	sld [smem:$0x3FB0]  }
0x29: {  	s4 =	sld [smem:$0x3FB2]  }
0x2a: {  	p0 =	seq.s32 s5, $0x0;
	s5 =	sld [smem:$0x3FB3]  }
0x2b: {  	s6 =	sld [smem:$0x3FB4]  }
0x2c: {  	s7 =	sld [smem:$0x3FB5]  }
0x2d: {  	s3 =	simm.s32 $0x108;
	s8 =	sld [smem:$0x3FB6]  }
0x2e: {  	s3 =	simm.s32 @!p0 $0x1082;
	s9 =	sld [smem:$0x3FB7]  }
0x2f: {  	lr =	sadd.s32 s0, s3;
	s0 =	sld [smem:$0x3FAE]  }
0x30: {  	s3 =	sld [smem:$0x3FB1]  }
0x31: {  	[smem:$0x3FBA] =	sst s10  }
0x32: {  	s10 =	sld [smem:$0x3FB8];
	_ =	sdelay $0x3  }
0x33: {  	p0 =	seq.s32 s10, $0x1;
	s10 =	sld [smem:$0x3FBA];
	_ =	sdelay $0x3  }
0x34: {  	[smem:$0x3FBA] =	sst s10  }
0x35: {  	s10 =	sld [smem:$0x3FB9];
	_ =	sdelay $0x3  }
0x36: {  	p1 =	seq.s32 s10, $0x1;
	s10 =	sld [smem:$0x3FBA];
	_ =	sdelay $0x3  }
0x37: {  	[smem:$0x3FBA] =	sst s10  }
0x38: {  	s10 =	sld [smem:$0x3FBB]  }
0x39: {  	_ = 	snop;
	(pc) =	sbr.ind lr, $3  }
0x3a: {  	_ = 	snop  }
0x3b: {  	_ = 	snop  }
0x3c: {  	p2 =	seq.s32 s10, $0x1;
	s10 =	sld [smem:$0x3FBA]  }
0x3d: {  	_ =	shalt  }
0x3e: {  	_ =	shalt  }
0x3f: {  	_ =	shalt  }
0x40: {  	_ =	shalt  }
0x41: {  	_ =	shalt  }
0x42: {  	_ =	shalt  }
0x43: {  	_ =	shalt  }
0x44: {  	_ =	shalt  }
0x45: {  	_ =	shalt  }
0x46: {  	_ =	shalt  }
0x47: {  	_ =	shalt  }
0x48: {  	_ =	shalt  }
0x49: {  	_ =	shalt  }
0x4a: {  	_ =	shalt  }
0x4b: {  	_ =	shalt  }
0x4c: {  	_ =	shalt  }
0x4d: {  	_ =	shalt  }
0x4e: {  	_ =	shalt  }
0x4f: {  	_ =	shalt  }
0x50: {  	_ =	shalt  }
0x51: {  	_ =	shalt  }
0x52: {  	_ =	shalt  }
0x53: {  	_ =	shalt  }
0x54: {  	_ =	shalt  }
0x55: {  	_ =	shalt  }
0x56: {  	_ =	shalt  }
0x57: {  	_ =	shalt  }
0x58: {  	_ =	shalt  }
0x59: {  	_ =	shalt  }
0x5a: {  	_ =	shalt  }
0x5b: {  	_ =	shalt  }
0x5c: {  	_ =	shalt  }
0x5d: {  	_ =	shalt  }
0x5e: {  	_ =	shalt  }
0x5f: {  	_ =	shalt  }
0x60: {  	_ =	shalt  }
0x61: {  	_ =	shalt  }
0x62: {  	_ =	shalt  }
0x63: {  	_ =	shalt  }
0x64: {  	_ =	shalt  }
0x65: {  	_ =	shalt  }
0x66: {  	_ =	shalt  }
0x67: {  	_ =	shalt  }
0x68: {  	_ =	shalt  }
0x69: {  	_ =	shalt  }
0x6a: {  	_ =	shalt  }
0x6b: {  	_ =	shalt  }
0x6c: {  	_ =	shalt  }
0x6d: {  	_ =	shalt  }
0x6e: {  	_ =	shalt  }
0x6f: {  	_ =	shalt  }
0x70: {  	_ =	shalt  }
0x71: {  	_ =	shalt  }
0x72: {  	_ =	shalt  }
0x73: {  	_ =	shalt  }
0x74: {  	_ =	shalt  }
0x75: {  	_ =	shalt  }
0x76: {  	_ =	shalt  }
0x77: {  	_ =	shalt  }
0x78: {  	_ =	shalt  }
0x79: {  	_ =	shalt  }
0x7a: {  	_ =	shalt  }
0x7b: {  	_ =	shalt  }
0x7c: {  	_ =	shalt  }
0x7d: {  	_ =	shalt  }
0x7e: {  	_ =	shalt  }
0x7f: {  	_ =	shalt  }
0x80: {  	_ =	shalt  }
0x81: {  	_ =	shalt  }
0x82: {  	_ =	shalt  }
0x83: {  	_ =	shalt  }
0x84: {  	_ =	shalt  }
0x85: {  	_ =	shalt  }
0x86: {  	_ =	shalt  }
0x87: {  	_ =	shalt  }
.Lfunc_end0:
.L_simem_size_0:
called_computation_lowered:
.L_overlay_start_0:
0x88: {  	s2 =	sld [smem:$0x3FD9]  }
0x89: {  	s3 =	sld [smem:$0x3FFE];
	_ =	sdelay $0x1  }
0x8a: {  	s1 =	srdreg.scid  }
0x8b: {  	s0 =	sand.u32 $0x1, s1  }
0x8c: {  	s14 =	sshll.u32 s0, $0xA;
	s2 =	sadd.s32 s3, s2  }
0x8d: {  	s2 =	sadd.s32 s2, s14  }
0x8e: {  	[smem:$0x3FC6] =	sst s2  }
0x8f: {  	_ = 	snop  }
0x90: {  	s2 =	sld [smem:$0x3FD0];
	_ =	sdelay $0x2  }
0x91: {  	s15 =	simm.s32 $0xA;
	s4 =	simm.s32 $0x10  }
0x92: {  	[smem:s4], [sflag:s15] =	dma.local [hbm:s2], $0x1  }
0x93: {  	_ =	swait.eq [sflag:s15], $0x1  }
0x94: {  	[sflag:s15] =	ssyncset.done $0x0  }
0x95: {  	[sflag:s15] =	ssyncadd.s32 $0xFFFFFFFF  }
0x96: {  	s16 =	sld [smem:$0x11];
	(tm) =	ssettm $0x1  }
0x97: {  	s17 =	sld [smem:$0x3FFB];
	_ =	sdelay $0x3  }
0x98: {  	_ =	strace s17  }
0x99: {  	s3 =	sld [smem:$0x3FFC];
	_ =	sdelay $0x3  }
0x9a: {  	_ =	strace s3  }
0x9b: {  	s3 =	sld [smem:$0x3FFD];
	_ =	sdelay $0x3  }
0x9c: {  	_ =	strace s3  }
0x9d: {  	_ =	strace $0x8FFFFFFF  }
0x9e: {  	s18 =	sld [smem:$0x3FDB];
	_ =	sdelay $0x1  }
0x9f: {  	s19 =	simm.s32 $_scs_section_size  }
0xa0: {  	s5 =	simm.s32 $_size__tile_overlayer_lowered;
	s6 =	simm.s32 $_tile_overlayer_lowered  }
0xa1: {  	s22 =	simm.s32 $0x1BFF;
	s21 =	sshll.u32 s6, $0x1;
	s3 =	sadd.s32 s19, s18  }
0xa2: {  	s7 =	simm.s32 $0x0;
	s20 =	sshll.u32 s5, $0x1;
	s5 =	sadd.s32 s21, s3  }
0xa3: {  	[timem:s7], [sflag:s22] =	dma.local [hbm:s5], s20  }
0xa4: {  	_ =	swait.ge [sflag:s22], s20  }
0xa5: {  	s4 =	ssub.s32 $0x0, s20;
	[sflag:s22] =	ssyncset.done $0x0  }
0xa6: {  	[sflag:s22] =	ssyncadd.s32 s4;
	_ =	sdelay $0x1  }
0xa7: {  	s23 =	simm.s32 $0x1B8B  }
0xa8: {  	_ =	swait.ge [sflag:s23], $0x1  }
0xa9: {  	[sflag:s23] =	ssyncset.done $0x0  }
0xaa: {  	s25 =	simm.s32 $0x1B8E;
	s24 =	sld [smem:$0x3FFE];
	[sflag:s23] =	ssyncadd.s32 $0xFFFFFFFF  }
0xab: {  	s26 =	simm.s32 $execute0_lowered;
	[smem:$0x3FD2] =	sst s25  }
0xac: {  	s5 =	sshll.u32 s26, $0x1;
	_ =	strace $0x80000046;
	[dreg:$0x1] =	wrdreg $0xFFFFFFFF  }
0xad: {  	s28 =	simm.s32 $_size_execute0_lowered;
	s3 =	sadd.s32 s3, s5;
	[dreg:$0x0] =	wrdreg $0x0  }
0xae: {  	s5 =	sshll.u32 s28, $0x1;
	[dreg:$0x2] =	wrdreg s3  }
0xaf: {  	[dreg:$0x3] =	wrdreg s5  }
0xb0: {  	[dreg:$0x4] =	wrdreg $0xC0  }
0xb1: {  	_ =	task [dreg:s7], $0x5FFFF  }
0xb2: {  	[dreg:$0x1] =	wrdreg $0xFFFFFFFF  }
0xb3: {  	[dreg:$0x0] =	wrdreg $0x60  }
0xb4: {  	[dreg:$0x2] =	wrdreg s24  }
0xb5: {  	[dreg:$0x3] =	wrdreg s16  }
0xb6: {  	[dreg:$0x4] =	wrdreg $0x9  }
0xb7: {  	_ =	task.clear_ibuf [dreg:s7], $0x5FFFF;
	_ =	strace $0x90000046  }
0xb8: {  	s29 =	simm.s32 $0x9;
	_ =	strace $0x80000048  }
0xb9: {  	_ =	swait.ge [sflag:s29], $0x1  }
0xba: {  	[sflag:s29] =	ssyncadd.s32 $0xFFFFFFFF  }
0xbb: {  	_ =	strace $0x90000048  }
0xbc: {  	_ =	sfence  }
0xbd: {  	s30 =	sld [smem:$0x0];
	_ =	sdelay $0x2  }
0xbe: {  	s31 =	sshll.u32 s1, $0xD;
	s1 =	sshrl.u32 s1, $0x2  }
0xbf: {  	s3 =	sand.u32 $0x4000, s31;
	s1 =	sadd.s32 s1, s30  }
0xc0: {  	s0 =	sor.u32 s3, s0;
	s1 =	sshll.u32 s1, $0x11  }
0xc1: {  	s0 =	sor.u32 s1, s0  }
0xc2: {  	s0 =	sadd.s32 $0x8F2B, s0  }
0xc3: {  	[sflag:s0] =	ssyncadd.remote.s32 $0x1  }
0xc4: {  	_ =	sfence.sel $0xFFFF  }
0xc5: {  	[dreg:$0x0] =	wrdreg $0xFFFFFFFF;
	(pc) =	sbr.abs _section_cstart, $3  }
0xc6: {  	[dreg:$0x1] =	wrdreg $0xFFFFFFFF  }
0xc7: {  	_ =	task.clear_ibuf [dreg:s7], $0x2FFFF;
	_ =	strace $0x9FFFFFFF  }
0xc8: {  	(tm) =	ssettm $0x7FFFFFFF  }
0xc9: {  	_ =	shalt  }
tec
execute0_lowered:
.L_overlay_start_1:
0x0: {  	(tag) =	ssettag $0x1  }
0x1: {  	s1 =	srdreg.scid  }
0x2: {  	s2 =	rddreg [dreg:$0x0];
	s0 =	stileid.u32;
	s14 =	sand.u32 $0x1, s1  }
0x3: {  	s13 =	rddreg [dreg:$0x1];
	s4 =	sshll.u32 s0, $0xA;
	s5 =	sshll.u32 s14, $0x9  }
0x4: {  	s3 =	simm.s32 $0x0;
	s1 =	rddreg [dreg:$0x2];
	s15 =	sor.u32 s5, s4  }
0x5: {  	[smem:$0x7FF] =	sst s3;
	s4 =	sshrl.u32 s15, $0x3  }
0x6: {  	_ =	strace $0x80000047;
	s5 =	sadd.s32 s13, s4;
	s4 =	simm.s32 $0x2  }
0x7: {  	[tilespmem:s3], [sflag:$0x2] =	stream.linear.gather [hbm4b:s5+s3], $0x80, $0x38;
	[tilespmem:$0x4080] =	vst v63  }
0x8: {  	_ =	swait.ge [sflag:s4], $0x80  }
0x9: {  	[sflag:s4] =	ssyncset.done $0x0  }
0xa: {  	s6 =	simm.s32 $0x80;
	s7 =	simm.s32 $0x1;
	[sflag:s4] =	ssyncadd.s32 $0xFFFFFF80  }
0xb: {  	[tilespmem:s6], [sflag:$0x1] =	stream.indirect.gather [hbm4b:s2+s6], $0x80, s3, s6, $0xb8;
	[tilespmem:$0x4080] =	vst v63  }
0xc: {  	_ =	swait.ge [sflag:s7], $0x4000  }
0xd: {  	s16 =	sadd.s32 $0x60000, s2;
	s8 =	sshll.u32 s15, $0x4;
	[sflag:s7] =	ssyncset.done $0x0  }
0xe: {  	s8 =	sadd.s32 s16, s8;
	[sflag:s7] =	ssyncadd.s32 $0xFFFFC000  }
0xf: {  	[hbm4b:s8+s3] =	stream.linear.scatter [tilespmem:s6], [sflag:$0x2], $0x4000, $0x38;
	[tilespmem:$0x4080] =	vst v63  }
0x10: {  	s10 =	sor.u32 $0x80, s15;
	_ =	swait.ge [sflag:s4], $0x4000  }
0x11: {  	s9 =	sshrl.u32 s10, $0x3;
	[sflag:s4] =	ssyncset.done $0x0  }
0x12: {  	s9 =	sadd.s32 s13, s9;
	[sflag:s4] =	ssyncadd.s32 $0xFFFFC000  }
0x13: {  	[tilespmem:s3], [sflag:$0x2] =	stream.linear.gather [hbm4b:s9+s3], $0x80, $0x38;
	[tilespmem:$0x4080] =	vst v63  }
0x14: {  	_ =	swait.ge [sflag:s4], $0x80  }
0x15: {  	[sflag:s4] =	ssyncset.done $0x0  }
0x16: {  	[sflag:s4] =	ssyncadd.s32 $0xFFFFFF80  }
0x17: {  	[tilespmem:s6], [sflag:$0x1] =	stream.indirect.gather [hbm4b:s2+s6], $0x80, s3, s6, $0xb8;
	[tilespmem:$0x4080] =	vst v63  }
0x18: {  	_ =	swait.ge [sflag:s7], $0x4000  }
0x19: {  	s10 =	sshll.u32 s10, $0x4;
	[sflag:s7] =	ssyncset.done $0x0  }
0x1a: {  	s10 =	sadd.s32 s16, s10;
	[sflag:s7] =	ssyncadd.s32 $0xFFFFC000  }
0x1b: {  	[hbm4b:s10+s3] =	stream.linear.scatter [tilespmem:s6], [sflag:$0x2], $0x4000, $0x38;
	[tilespmem:$0x4080] =	vst v63  }
0x1c: {  	s12 =	sor.u32 $0x100, s15;
	_ =	swait.ge [sflag:s4], $0x4000  }
0x1d: {  	s11 =	sshrl.u32 s12, $0x3;
	[sflag:s4] =	ssyncset.done $0x0  }
0x1e: {  	s11 =	sadd.s32 s13, s11;
	[sflag:s4] =	ssyncadd.s32 $0xFFFFC000  }
0x1f: {  	[tilespmem:s3], [sflag:$0x2] =	stream.linear.gather [hbm4b:s11+s3], $0x80, $0x38;
	[tilespmem:$0x4080] =	vst v63  }
0x20: {  	_ =	swait.ge [sflag:s4], $0x80  }
0x21: {  	[sflag:s4] =	ssyncset.done $0x0  }
0x22: {  	[sflag:s4] =	ssyncadd.s32 $0xFFFFFF80  }
0x23: {  	[tilespmem:s6], [sflag:$0x1] =	stream.indirect.gather [hbm4b:s2+s6], $0x80, s3, s6, $0xb8;
	[tilespmem:$0x4080] =	vst v63  }
0x24: {  	_ =	swait.ge [sflag:s7], $0x4000  }
0x25: {  	s12 =	sshll.u32 s12, $0x4;
	[sflag:s7] =	ssyncset.done $0x0  }
0x26: {  	s12 =	sadd.s32 s16, s12;
	[sflag:s7] =	ssyncadd.s32 $0xFFFFC000  }
0x27: {  	[hbm4b:s12+s3] =	stream.linear.scatter [tilespmem:s6], [sflag:$0x2], $0x4000, $0x38;
	[tilespmem:$0x4080] =	vst v63  }
0x28: {  	s15 =	sor.u32 $0x180, s15;
	_ =	swait.ge [sflag:s4], $0x4000  }
0x29: {  	s17 =	sshrl.u32 s15, $0x3;
	[sflag:s4] =	ssyncset.done $0x0  }
0x2a: {  	s14 =	ssub.s32 $0x2, s14;
	s13 =	sadd.s32 s13, s17;
	[sflag:s4] =	ssyncadd.s32 $0xFFFFC000  }
0x2b: {  	[tilespmem:s3], [sflag:$0x2] =	stream.linear.gather [hbm4b:s13+s3], $0x80, $0x38;
	[tilespmem:$0x4080] =	vst v63  }
0x2c: {  	s29 =	sshrl.u32 s14, $0x1;
	_ =	swait.ge [sflag:s4], $0x80  }
0x2d: {  	s17 =	ssub.s32 s14, s29;
	[sflag:s4] =	ssyncset.done $0x0  }
0x2e: {  	s31 =	smax.u32 s17, $0x1;
	[sflag:s4] =	ssyncadd.s32 $0xFFFFFF80  }
0x2f: {  	[tilespmem:s6], [sflag:$0x1] =	stream.indirect.gather [hbm4b:s2+s6], $0x80, s3, s6, $0xb8;
	[tilespmem:$0x4080] =	vst v63  }
0x30: {  	p0 =	sne.s32 s31, $0x1;
	_ =	swait.ge [sflag:s7], $0x4000  }
.Ltmp0:
0x31: {  	s30 =	sshll.u32 s15, $0x4;
	[sflag:s7] =	ssyncset.done $0x0;
	(pc) =	sbr.rel @!p0 .LBB2_2-.Ltmp0, $4  }
0x32: {  	s14 =	sadd.s32 s16, s30;
	[sflag:s7] =	ssyncadd.s32 $0xFFFFC000  }
0x33: {  	[hbm4b:s14+s3] =	stream.linear.scatter [tilespmem:s6], [sflag:$0x2], $0x4000, $0x38;
	[tilespmem:$0x4080] =	vst v63  }
0x34: {  	_ =	swait.ge [sflag:s4], $0x4000  }
0x35: {  	s15 =	sadd.s32 $0xFFFFFFFF, s31;
	[sflag:s4] =	ssyncset.done $0x0  }
.LBB2_1:
0x36: {  	p0 =	sne.s32 s15, $0x1;
	s15 =	sadd.s32 $0xFFFFFFFF, s15;
	[sflag:s4] =	ssyncadd.s32 $0xFFFFC000  }
0x37: {  	[tilespmem:s3], [sflag:$0x2] =	stream.linear.gather [hbm4b:s5+s3], $0x80, $0x38;
	[tilespmem:$0x4080] =	vst v63  }
0x38: {  	_ =	swait.ge [sflag:s4], $0x80  }
0x39: {  	[sflag:s4] =	ssyncset.done $0x0  }
0x3a: {  	[sflag:s4] =	ssyncadd.s32 $0xFFFFFF80  }
0x3b: {  	[tilespmem:s6], [sflag:$0x1] =	stream.indirect.gather [hbm4b:s2+s6], $0x80, s3, s6, $0xb8;
	[tilespmem:$0x4080] =	vst v63  }
0x3c: {  	_ =	swait.ge [sflag:s7], $0x4000  }
0x3d: {  	[sflag:s7] =	ssyncset.done $0x0  }
0x3e: {  	[sflag:s7] =	ssyncadd.s32 $0xFFFFC000  }
0x3f: {  	[hbm4b:s8+s3] =	stream.linear.scatter [tilespmem:s6], [sflag:$0x2], $0x4000, $0x38;
	[tilespmem:$0x4080] =	vst v63  }
0x40: {  	_ =	swait.ge [sflag:s4], $0x4000  }
0x41: {  	[sflag:s4] =	ssyncset.done $0x0  }
0x42: {  	[sflag:s4] =	ssyncadd.s32 $0xFFFFC000  }
0x43: {  	[tilespmem:s3], [sflag:$0x2] =	stream.linear.gather [hbm4b:s9+s3], $0x80, $0x38;
	[tilespmem:$0x4080] =	vst v63  }
0x44: {  	_ =	swait.ge [sflag:s4], $0x80  }
0x45: {  	[sflag:s4] =	ssyncset.done $0x0  }
0x46: {  	[sflag:s4] =	ssyncadd.s32 $0xFFFFFF80  }
0x47: {  	[tilespmem:s6], [sflag:$0x1] =	stream.indirect.gather [hbm4b:s2+s6], $0x80, s3, s6, $0xb8;
	[tilespmem:$0x4080] =	vst v63  }
0x48: {  	_ =	swait.ge [sflag:s7], $0x4000  }
0x49: {  	[sflag:s7] =	ssyncset.done $0x0  }
0x4a: {  	[sflag:s7] =	ssyncadd.s32 $0xFFFFC000  }
0x4b: {  	[hbm4b:s10+s3] =	stream.linear.scatter [tilespmem:s6], [sflag:$0x2], $0x4000, $0x38;
	[tilespmem:$0x4080] =	vst v63  }
0x4c: {  	_ =	swait.ge [sflag:s4], $0x4000  }
0x4d: {  	[sflag:s4] =	ssyncset.done $0x0  }
0x4e: {  	[sflag:s4] =	ssyncadd.s32 $0xFFFFC000  }
0x4f: {  	[tilespmem:s3], [sflag:$0x2] =	stream.linear.gather [hbm4b:s11+s3], $0x80, $0x38;
	[tilespmem:$0x4080] =	vst v63  }
0x50: {  	_ =	swait.ge [sflag:s4], $0x80  }
0x51: {  	[sflag:s4] =	ssyncset.done $0x0  }
0x52: {  	[sflag:s4] =	ssyncadd.s32 $0xFFFFFF80  }
0x53: {  	[tilespmem:s6], [sflag:$0x1] =	stream.indirect.gather [hbm4b:s2+s6], $0x80, s3, s6, $0xb8;
	[tilespmem:$0x4080] =	vst v63  }
0x54: {  	_ =	swait.ge [sflag:s7], $0x4000  }
0x55: {  	[sflag:s7] =	ssyncset.done $0x0  }
0x56: {  	[sflag:s7] =	ssyncadd.s32 $0xFFFFC000  }
0x57: {  	[hbm4b:s12+s3] =	stream.linear.scatter [tilespmem:s6], [sflag:$0x2], $0x4000, $0x38;
	[tilespmem:$0x4080] =	vst v63  }
0x58: {  	_ =	swait.ge [sflag:s4], $0x4000  }
0x59: {  	[sflag:s4] =	ssyncset.done $0x0  }
0x5a: {  	[sflag:s4] =	ssyncadd.s32 $0xFFFFC000  }
0x5b: {  	[tilespmem:s3], [sflag:$0x2] =	stream.linear.gather [hbm4b:s13+s3], $0x80, $0x38;
	[tilespmem:$0x4080] =	vst v63  }
0x5c: {  	_ =	swait.ge [sflag:s4], $0x80  }
0x5d: {  	[sflag:s4] =	ssyncset.done $0x0  }
0x5e: {  	[sflag:s4] =	ssyncadd.s32 $0xFFFFFF80  }
0x5f: {  	[tilespmem:s6], [sflag:$0x1] =	stream.indirect.gather [hbm4b:s2+s6], $0x80, s3, s6, $0xb8;
	[tilespmem:$0x4080] =	vst v63  }
0x60: {  	_ =	swait.ge [sflag:s7], $0x4000  }
.Ltmp1:
0x61: {  	[sflag:s7] =	ssyncset.done $0x0;
	(pc) =	sbr.rel @p0 .LBB2_1-.Ltmp1, $4  }
0x62: {  	[sflag:s7] =	ssyncadd.s32 $0xFFFFC000  }
0x63: {  	[hbm4b:s14+s3] =	stream.linear.scatter [tilespmem:s6], [sflag:$0x2], $0x4000, $0x38;
	[tilespmem:$0x4080] =	vst v63  }
0x64: {  	_ =	swait.ge [sflag:s4], $0x4000  }
0x65: {  	[sflag:s4] =	ssyncset.done $0x0  }
.LBB2_2:
0x66: {  	[sflag:s4] =	ssyncadd.s32 $0xFFFFC000  }
0x67: {  	_ =	sfence.sel $0x180000  }
0x68: {  	[bflag:$0x0] =	sbarrier.arrive $0xFFFF  }
0x69: {  	p0 =	sne.s32 s0, $0x0;
	_ =	strace $0x90000047  }
0x6a: {  	s0 =	sadd.s32 @!p0 $0x100000, s1;
	[bflag:$0x2] =	sbarrier.arrive $0xFFFF  }
0x6b: {  	[sflag:s0] =	ssyncadd.tile.s32 @!p0 $0x1;
	_ =	shalt  }
.Lfunc_end2:
_tile_overlayer_lowered:
.L_overlay_start_2:
0x6c: {  	(tag) =	ssettag $0x2  }
0x6d: {  	s0 =	rddreg [dreg:$0x0];
	s2 =	stileid.u32  }
0x6e: {  	s1 =	rddreg [dreg:$0x1];
	p0 =	sne.s32 s2, $0x0  }
0x6f: {  	s3 =	rddreg [dreg:$0x2];
	[bflag:$0x3] =	sbarrier.arrive $0xFFFF;
	s2 =	simm.s32 @!p0 $0x1C02  }
0x70: {  	[timem:s3], [sflag:s2] =	dma.local @!p0 [hbm:s0], s1  }
0x71: {  	s0 =	simm.s32 @!p0 $0x2  }
0x72: {  	_ =	swait.ge @!p0 [sflag:s0], s1  }
0x73: {  	s1 =	ssub.s32 @!p0 $0x0, s1;
	[sflag:s0] =	ssyncset.done @!p0 $0x0  }
0x74: {  	[sflag:s0] =	ssyncadd.s32 @!p0 s1  }
0x75: {  	[bflag:$0x3] =	sbarrier.arrive $0xFFFF  }
0x76: {  	_ =	shalt  }

</sc_bundles>
